<compile_context>
chip_gen: v7x
topology: tpu7x:2x2x1
jax: 0.10.2.dev20260603
libtpu: 0.0.44.dev20260713+nightly
codegen_flags: <defaults>
</compile_context>

<pallas_src>
import jax
import jax.numpy as jnp
from jax.experimental import pallas as pl

DIM = 96; RANK = 16; E = 4; TOPK = 1; PS = 8


def _conv1x1(x, w, b=None):
    y = jnp.einsum('bchw,oc->bohw', x, w)
    if b is not None:
        y = y + b[None, :, None, None]
    return y


def _dwconv(x, w, b, pad):
    c = x.shape[1]
    y = jax.lax.conv_general_dilated(x, w, (1, 1), [(pad, pad), (pad, pad)],
                                     dimension_numbers=('NCHW', 'OIHW', 'NCHW'),
                                     feature_group_count=c)
    return y + b[None, :, None, None]


def _layernorm_c(x, w, b):
    mu = jnp.mean(x, axis=1, keepdims=True)
    var = jnp.mean((x - mu) ** 2, axis=1, keepdims=True)
    return (x - mu) / jnp.sqrt(var + 1e-5) * w[None, :, None, None] + b[None, :, None, None]


def _fft_attn(x, qw, qdw, qdb, kvw, kvdw, kvdb, lnw, lnb, ow, ob):
    b, c, h, w = x.shape
    q = _dwconv(_conv1x1(x, qw), qdw, qdb, 1)
    kv = _dwconv(_conv1x1(x, kvw), kvdw, kvdb, 3)
    k, v = jnp.split(kv, 2, axis=1)
    ph = (-h) % PS; pw = (-w) % PS
    def par(t):
        t = jnp.pad(t, ((0, 0), (0, 0), (0, ph), (0, pw)))
        return t.reshape(b, c, (h + ph) // PS, PS, (w + pw) // PS, PS).transpose(0, 1, 2, 4, 3, 5)
    o = jnp.fft.irfft2(jnp.fft.rfft2(par(q)) * jnp.fft.rfft2(par(k)), s=(PS, PS))
    bb, cc, hh, ww, _, _ = o.shape
    o = o.transpose(0, 1, 2, 4, 3, 5).reshape(bb, cc, hh * PS, ww * PS)[:, :, :h, :w]
    o = _layernorm_c(o, lnw, lnb)
    o = o * v
    return _conv1x1(o, ow, ob)


def _expert_fwd(x, shared, p0, p1, p2, qw, qdw, qdb, kvw, kvdw, kvdb, lnw, lnb, ow, ob):
    h = _conv1x1(x, p0)
    a = _fft_attn(h, qw, qdw, qdb, kvw, kvdw, kvdb, lnw, lnb, ow, ob)
    g = jax.nn.silu(_conv1x1(shared, p1))
    return _conv1x1(a * g, p2) + x


def _router_fn(x, rw, rb):
    probs = jax.nn.softmax(_conv1x1(x, rw, rb), axis=1)
    pl_ = jnp.moveaxis(probs, 1, -1)
    vals, idx = jax.lax.top_k(pl_, TOPK)
    gl = jnp.sum(jax.nn.one_hot(idx, E, dtype=probs.dtype) * vals[..., None], axis=-2)
    return jnp.moveaxis(gl, -1, 1)


def _projout_kernel(x_ref, w_ref, b_ref, o_ref):
    o_ref[...] = (jnp.dot(w_ref[...], x_ref[...],
                          preferred_element_type=jnp.float32)
                  + b_ref[...].reshape(DIM, 1))


def _projout_pallas(xflat, w, b):
    HW = xflat.shape[1]
    T = 9216
    grid = (HW // T,)
    return pl.pallas_call(
        _projout_kernel,
        grid=grid,
        in_specs=[
            pl.BlockSpec((DIM, T), lambda i: (0, i)),
            pl.BlockSpec((DIM, DIM), lambda i: (0, 0)),
            pl.BlockSpec((DIM,), lambda i: (0,)),
        ],
        out_specs=pl.BlockSpec((DIM, T), lambda i: (0, i)),
        out_shape=jax.ShapeDtypeStruct((DIM, HW), jnp.float32),
    )(xflat, w, b)


def kernel(x, shared, router_w, router_b, e_p0, e_p1, e_p2, e_qw, e_qdw, e_qdb,
           e_kvw, e_kvdw, e_kvdb, e_lnw, e_lnb, e_pow, e_pob, projout_w, projout_b):
    gates = _router_fn(x, router_w, router_b)
    out = jnp.zeros_like(x)
    for i in range(E):
        ex = _expert_fwd(x, shared, e_p0[i], e_p1[i], e_p2[i], e_qw[i], e_qdw[i],
                         e_qdb[i], e_kvw[i], e_kvdw[i], e_kvdb[i], e_lnw[i],
                         e_lnb[i], e_pow[i], e_pob[i])
        out = out + ex * gates[:, i:i + 1]
    b, c, h, w = out.shape
    y = _projout_pallas(out.reshape(c, h * w), projout_w, projout_b)
    return y.reshape(b, c, h, w)

# --- scband reference (transcript-rebuilt; emitter-appended) ---
"""Pipeline reference for scband-patch-adapter-layer-18442589569297 (READ-ONLY COPY).

The authoritative reference and input builder live on the scoring server;
editing this copy changes nothing except your own understanding.
"""

import jax, jax.numpy as jnp
import numpy as np

DIM = 96; RANK = 16; E = 4; TOPK = 1; PS = 8; B = 1; H = 384; W = 384


def conv1x1(x, w, b=None):
    y = jnp.einsum('bchw,oc->bohw', x, w)
    if b is not None:
        y = y + b[None, :, None, None]
    return y


def dwconv(x, w, b, pad):
    c = x.shape[1]
    y = jax.lax.conv_general_dilated(x, w, (1, 1), [(pad, pad), (pad, pad)],
                                     dimension_numbers=('NCHW', 'OIHW', 'NCHW'),
                                     feature_group_count=c)
    return y + b[None, :, None, None]


def layernorm_c(x, w, b):
    mu = jnp.mean(x, axis=1, keepdims=True)
    var = jnp.mean((x - mu) ** 2, axis=1, keepdims=True)
    return (x - mu) / jnp.sqrt(var + 1e-5) * w[None, :, None, None] + b[None, :, None, None]


def fft_attn(x, qw, qdw, qdb, kvw, kvdw, kvdb, lnw, lnb, ow, ob):
    b, c, h, w = x.shape
    q = dwconv(conv1x1(x, qw), qdw, qdb, 1)
    kv = dwconv(conv1x1(x, kvw), kvdw, kvdb, 3)
    k, v = jnp.split(kv, 2, axis=1)
    ph = (-h) % PS; pw = (-w) % PS
    def par(t):
        t = jnp.pad(t, ((0, 0), (0, 0), (0, ph), (0, pw)))
        return t.reshape(b, c, (h + ph) // PS, PS, (w + pw) // PS, PS).transpose(0, 1, 2, 4, 3, 5)
    o = jnp.fft.irfft2(jnp.fft.rfft2(par(q)) * jnp.fft.rfft2(par(k)), s=(PS, PS))
    bb, cc, hh, ww, _, _ = o.shape
    o = o.transpose(0, 1, 2, 4, 3, 5).reshape(bb, cc, hh * PS, ww * PS)[:, :, :h, :w]
    o = layernorm_c(o, lnw, lnb)
    o = o * v
    return conv1x1(o, ow, ob)


def expert_fwd(x, shared, p0, p1, p2, qw, qdw, qdb, kvw, kvdw, kvdb, lnw, lnb, ow, ob):
    h = conv1x1(x, p0)
    a = fft_attn(h, qw, qdw, qdb, kvw, kvdw, kvdb, lnw, lnb, ow, ob)
    g = jax.nn.silu(conv1x1(shared, p1))
    return conv1x1(a * g, p2) + x


def router_fn(x, rw, rb):
    probs = jax.nn.softmax(conv1x1(x, rw, rb), axis=1)
    pl = jnp.moveaxis(probs, 1, -1)
    vals, idx = jax.lax.top_k(pl, TOPK)
    gl = jnp.sum(jax.nn.one_hot(idx, E, dtype=probs.dtype) * vals[..., None], axis=-2)
    return jnp.moveaxis(gl, -1, 1)


def _forward(x, shared, router_w, router_b, e_p0, e_p1, e_p2, e_qw, e_qdw, e_qdb, e_kvw, e_kvdw, e_kvdb, e_lnw, e_lnb, e_pow, e_pob, projout_w, projout_b):
    gates = router_fn(x, router_w, router_b)
    out = jnp.zeros_like(x)
    for i in range(E):
        ex = expert_fwd(x, shared, e_p0[i], e_p1[i], e_p2[i], e_qw[i], e_qdw[i], e_qdb[i],
                        e_kvw[i], e_kvdw[i], e_kvdb[i], e_lnw[i], e_lnb[i], e_pow[i], e_pob[i])
        out = out + ex * gates[:, i:i + 1]
    return conv1x1(out, projout_w, projout_b)


def setup_inputs(seed: int = 0):
    key = jax.random.key(seed)
    ks = jax.random.split(key, 16)
    R = RANK
    def n(k, s, sc=0.05):
        return jax.random.normal(k, s, dtype=jnp.float32) * sc
    return {
        'x': jax.random.normal(ks[0], (B, DIM, H, W), dtype=jnp.float32),
        'shared': jax.random.normal(ks[1], (B, DIM, H, W), dtype=jnp.float32),
        'router_w': n(ks[2], (E, DIM)), 'router_b': jnp.zeros((E,), jnp.float32),
        'e_p0': n(ks[3], (E, R, DIM)), 'e_p1': n(ks[4], (E, R, DIM)), 'e_p2': n(ks[5], (E, DIM, R)),
        'e_qw': n(ks[6], (E, R, R)), 'e_qdw': n(ks[7], (E, R, 1, 3, 3)), 'e_qdb': jnp.zeros((E, R), jnp.float32),
        'e_kvw': n(ks[8], (E, 2 * R, R)), 'e_kvdw': n(ks[9], (E, 2 * R, 1, 7, 7)), 'e_kvdb': jnp.zeros((E, 2 * R), jnp.float32),
        'e_lnw': jnp.ones((E, R), jnp.float32), 'e_lnb': jnp.zeros((E, R), jnp.float32),
        'e_pow': n(ks[10], (E, R, R)), 'e_pob': jnp.zeros((E, R), jnp.float32),
        'projout_w': n(ks[11], (DIM, DIM)), 'projout_b': jnp.zeros((DIM,), jnp.float32),
    }


def reference(x, shared, router_w, router_b, e_p0, e_p1, e_p2, e_qw, e_qdw, e_qdb, e_kvw, e_kvdw, e_kvdb, e_lnw, e_lnb, e_pow, e_pob, projout_w, projout_b):
    return _forward(x, shared, router_w, router_b, e_p0, e_p1, e_p2, e_qw, e_qdw, e_qdb,
                    e_kvw, e_kvdw, e_kvdb, e_lnw, e_lnb, e_pow, e_pob, projout_w, projout_b)

if __name__ == "__main__":
    import jax
    _d = setup_inputs()
    print(jax.jit(kernel)(*tuple(_d.values())))

</pallas_src>

<mosaic_0001>
module attributes {stable_mosaic.version = 14 : i64} {
  func.func @_projout_kernel(%arg0: i32, %arg1: memref<96x9216xf32, #tpu.memory_space<vmem>>, %arg2: memref<96x96xf32, #tpu.memory_space<vmem>>, %arg3: memref<96xf32, #tpu.memory_space<vmem>>, %arg4: memref<96x9216xf32, #tpu.memory_space<vmem>>) attributes {dimension_semantics = [#tpu.dimension_semantics<arbitrary>], iteration_bounds = array<i64: 16>, scalar_prefetch = 0 : i64, scratch_operands = 0 : i64, tpu.core_type = #tpu.core_type<tc>, window_params = [{transform_indices = @transform_0, window_bounds = array<i64: 96, 9216>}, {pipeline_mode = #tpu.pipeline_mode<synchronous>, transform_indices = @transform_1, window_bounds = array<i64: 96, 96>}, {pipeline_mode = #tpu.pipeline_mode<synchronous>, transform_indices = @transform_2, window_bounds = array<i64: 96>}, {transform_indices = @transform_3, window_bounds = array<i64: 96, 9216>}]} {
    %get3A = arith.constant 0 : index
    %get3A_0 = arith.constant 0 : index
    %get3A_1 = vector.load %arg2[%get3A, %get3A_0] : memref<96x96xf32, #tpu.memory_space<vmem>>, vector<96x96xf32>
    %get3A_2 = arith.constant 0 : index
    %get3A_3 = arith.constant 0 : index
    %get3A_4 = vector.load %arg1[%get3A_2, %get3A_3] : memref<96x9216xf32, #tpu.memory_space<vmem>>, vector<96x9216xf32>
    %dot_general3A = arith.constant dense<0.000000e+00> : vector<96x9216xf32>
    %dot_general3A_5 = tpu.matmul %get3A_1, %get3A_4, %dot_general3A {dimension_numbers = #tpu.dot_dimension_numbers<[1], [0], [0], [1], [0, 0, 1, 1], [], []>, transpose_lhs_hint = false} : vector<96x96xf32>, vector<96x9216xf32>, vector<96x9216xf32> -> vector<96x9216xf32>
    %get3A_6 = arith.constant 0 : index
    %get3A_7 = vector.load %arg3[%get3A_6] : memref<96xf32, #tpu.memory_space<vmem>>, vector<96xf32>
    %reshape3A = vector.shape_cast %get3A_7 : vector<96xf32> to vector<96x1xf32>
    %add3A = vector.broadcast %reshape3A : vector<96x1xf32> to vector<96x9216xf32>
    %add3A_8 = arith.addf %dot_general3A_5, %add3A : vector<96x9216xf32>
    %swap3A = arith.constant 0 : index
    %swap3A_9 = arith.constant 0 : index
    %swap3A_10 = vector.load %arg4[%swap3A, %swap3A_9] : memref<96x9216xf32, #tpu.memory_space<vmem>>, vector<96x9216xf32>
    tpu.vector_store %arg4[%swap3A, %swap3A_9], %add3A_8 {strides = array<i32>} : memref<96x9216xf32, #tpu.memory_space<vmem>>, vector<96x9216xf32>,
    return
  }
  func.func @transform_0(%arg0: i32) -> (i32, i32) {
    %c0_i32 = arith.constant 0 : i32
    %c0_i32_0 = arith.constant 0 : i32
    return %c0_i32, %arg0 : i32, i32
  }
  func.func @transform_1(%arg0: i32) -> (i32, i32) {
    %c0_i32 = arith.constant 0 : i32
    %c0_i32_0 = arith.constant 0 : i32
    %c0_i32_1 = arith.constant 0 : i32
    return %c0_i32, %c0_i32_0 : i32, i32
  }
  func.func @transform_2(%arg0: i32) -> i32 {
    %c0_i32 = arith.constant 0 : i32
    %c0_i32_0 = arith.constant 0 : i32
    return %c0_i32 : i32
  }
  func.func @transform_3(%arg0: i32) -> (i32, i32) {
    %c0_i32 = arith.constant 0 : i32
    %c0_i32_0 = arith.constant 0 : i32
    return %c0_i32, %arg0 : i32, i32
  }
}

</mosaic_0001>

<sc_bundles>
// kernel: sparse-core-data-format-call.1.cloned.1.call-start
scs
called_computation.1_lowered:
.L_overlay_start_0:
0x0: {  	s2 =	sld [smem:$0x3FD9]  }
0x1: {  	s3 =	sld [smem:$0x3FFE];
	_ =	sdelay $0x1  }
0x2: {  	s1 =	srdreg.scid  }
0x3: {  	s0 =	sand.u32 $0x1, s1  }
0x4: {  	s18 =	sshll.u32 s0, $0xA;
	s2 =	sadd.s32 s3, s2  }
0x5: {  	s2 =	sadd.s32 s2, s18  }
0x6: {  	[smem:$0x3FB5] =	sst s2  }
0x7: {  	_ = 	snop  }
0x8: {  	s2 =	sld [smem:$0x3FD0];
	(tm) =	ssettm $0x1  }
0x9: {  	s19 =	sld [smem:$0x3FFB];
	_ =	sdelay $0x3  }
0xa: {  	_ =	strace s19  }
0xb: {  	s3 =	sld [smem:$0x3FFC];
	_ =	sdelay $0x3  }
0xc: {  	_ =	strace s3  }
0xd: {  	s3 =	sld [smem:$0x3FFD];
	_ =	sdelay $0x3  }
0xe: {  	_ =	strace s3  }
0xf: {  	_ =	strace $0x8FFFFFFF  }
0x10: {  	s20 =	sld [smem:$0x3FDB];
	_ =	sdelay $0x1  }
0x11: {  	s4 =	simm.s32 $_scs_section_size  }
0x12: {  	s5 =	simm.s32 $_size__tile_overlayer_lowered;
	s6 =	simm.s32 $_tile_overlayer_lowered  }
0x13: {  	s23 =	simm.s32 $0x1BFF;
	s22 =	sshll.u32 s6, $0x1;
	s3 =	sadd.s32 s4, s20  }
0x14: {  	s7 =	simm.s32 $0x0;
	s21 =	sshll.u32 s5, $0x1;
	s5 =	sadd.s32 s22, s3  }
0x15: {  	[timem:s7], [sflag:s23] =	dma.local [hbm:s5], s21  }
0x16: {  	_ =	swait.ge [sflag:s23], s21  }
0x17: {  	s4 =	ssub.s32 $0x0, s21;
	[sflag:s23] =	ssyncset.done $0x0  }
0x18: {  	[sflag:s23] =	ssyncadd.s32 s4;
	_ =	sdelay $0x1  }
0x19: {  	s24 =	simm.s32 $0x1B8B  }
0x1a: {  	_ =	swait.ge [sflag:s24], $0x1  }
0x1b: {  	[sflag:s24] =	ssyncset.done $0x0  }
0x1c: {  	s26 =	simm.s32 $0x1B8E;
	s25 =	sld [smem:$0x3FFE];
	[sflag:s24] =	ssyncadd.s32 $0xFFFFFFFF  }
0x1d: {  	s27 =	simm.s32 $execute0_lowered;
	[smem:$0x3FD2] =	sst s26  }
0x1e: {  	s5 =	sshll.u32 s27, $0x1;
	_ =	strace $0x80000046;
	[dreg:$0x1] =	wrdreg $0xFFFFFFFF  }
0x1f: {  	s28 =	simm.s32 $_size_execute0_lowered;
	s3 =	sadd.s32 s3, s5;
	[dreg:$0x0] =	wrdreg $0x0  }
0x20: {  	s5 =	sshll.u32 s28, $0x1;
	[dreg:$0x2] =	wrdreg s3  }
0x21: {  	[dreg:$0x3] =	wrdreg s5  }
0x22: {  	[dreg:$0x4] =	wrdreg $0xC0  }
0x23: {  	_ =	task [dreg:s7], $0x5FFFF  }
0x24: {  	[dreg:$0x1] =	wrdreg $0xFFFFFFFF  }
0x25: {  	[dreg:$0x0] =	wrdreg $0x60  }
0x26: {  	[dreg:$0x2] =	wrdreg s25  }
0x27: {  	[dreg:$0x3] =	wrdreg s2  }
0x28: {  	[dreg:$0x4] =	wrdreg $0x9  }
0x29: {  	_ =	task.clear_ibuf [dreg:s7], $0x5FFFF;
	_ =	strace $0x90000046  }
0x2a: {  	s29 =	simm.s32 $0x9;
	_ =	strace $0x80000048  }
0x2b: {  	_ =	swait.ge [sflag:s29], $0x1  }
0x2c: {  	[sflag:s29] =	ssyncadd.s32 $0xFFFFFFFF  }
0x2d: {  	_ =	strace $0x90000048  }
0x2e: {  	_ =	sfence  }
0x2f: {  	s30 =	sld [smem:$0x0];
	_ =	sdelay $0x2  }
0x30: {  	s31 =	sshll.u32 s1, $0xD;
	s1 =	sshrl.u32 s1, $0x2  }
0x31: {  	s3 =	sand.u32 $0x4000, s31;
	s1 =	sadd.s32 s1, s30  }
0x32: {  	s0 =	sor.u32 s3, s0;
	s1 =	sshll.u32 s1, $0x11  }
0x33: {  	s0 =	sor.u32 s1, s0  }
0x34: {  	s0 =	sadd.s32 $0x8F2B, s0  }
0x35: {  	[sflag:s0] =	ssyncadd.remote.s32 $0x1  }
0x36: {  	_ =	sfence.sel $0xFFFF  }
0x37: {  	[dreg:$0x0] =	wrdreg $0xFFFFFFFF;
	(pc) =	sbr.abs _section_cstart, $3  }
0x38: {  	[dreg:$0x1] =	wrdreg $0xFFFFFFFF  }
0x39: {  	_ =	task.clear_ibuf [dreg:s7], $0x2FFFF;
	_ =	strace $0x9FFFFFFF  }
0x3a: {  	(tm) =	ssettm $0x7FFFFFFF  }
0x3b: {  	_ =	shalt  }
tec
execute0_lowered:
.L_overlay_start_1:
0x0: {  	(tag) =	ssettag $0x1  }
0x1: {  	s0 =	srdreg.scid;
	s4 =	rddreg [dreg:$0x0]  }
0x2: {  	s3 =	rddreg [dreg:$0x1];
	s7 =	simm.s32 $0x2;
	s1 =	sshll.u32 s0, $0x4  }
0x3: {  	s15 =	simm.s32 $0x0;
	s0 =	stileid.u32;
	s1 =	sand.u32 $0x10, s1  }
0x4: {  	s8 =	simm.s32 $0xC00;
	s17 =	simm.s32 $0x0;
	s1 =	sor.u32 s0, s1  }
0x5: {  	s14 =	simm.s32 $0x0;
	s16 =	simm.s32 $0x0;
	s2 =	sshll.u32 s1, $0x4  }
0x6: {  	s9 =	simm.s32 $0x0;
	s10 =	simm.s32 $0x0;
	s5 =	ssub.s32 $0x180, s2  }
0x7: {  	s11 =	simm.s32 $0x0;
	s13 =	simm.s32 $0x0;
	p0 =	sgt.s32 s5, $0x0  }
.Ltmp0:
0x8: {  	s4 =	sadd.s32 $0x84FA00, s4;
	s5 =	simm.s32 @!p0 $0x0;
	(pc) =	sbr.rel .LBB1_1-.Ltmp0, $4  }
0x9: {  	s1 =	rddreg [dreg:$0x2];
	_ =	strace $0x80000047;
	s6 =	sand.u32 $0x1F0, s5  }
0xa: {  	s5 =	simm.s32 $0x1;
	p0 =	seq.s32 s6, $0x0;
	s6 =	simm.s32 $0x0  }
0xb: {  	s12 =	smov.u32 s2;
	[sflag:s5] =	ssyncpa.u1 $0x0;
	s6 =	simm.s32 @!p0 $0x24  }
0xc: {  	[sflag:s7] =	ssyncpa.u1 $0x0;
	p0 =	por $0x0, $0x0;
	s7 =	sor.u32 $0x1, s6  }
.LBB1_7:
0xd: {  	s18 =	sadd.s32 $0x80, s9  }
0xe: {  	s14 =	sadd.s32 $0x8, s10;
	s19 =	smov.u32 s10;
	p2 =	sgt.s32 s18, $0x17F  }
0xf: {  	s19 =	smov.u32 @p2 s14  }
0x10: {  	s14 =	simm.s32 $0x1;
	p3 =	sgt.s32 s19, $0x7  }
0x11: {  	s14 =	simm.s32 @!p3 $0x0  }
0x12: {  	s20 =	sadd.s32 s14, s11  }
0x13: {  	s21 =	smov.u32 s12;
	s14 =	sadd.s32 $0x200, s12;
	p4 =	sgt.s32 s20, $0xB  }
0x14: {  	p1 =	slt.u32 s13, $0x2;
	s21 =	smov.u32 @p4 s14  }
0x15: {  	s15 =	smov.u32 s9;
	s18 =	simm.s32 @p2 $0x0;
	p2 =	sgt.s32 s21, $0x17F  }
0x16: {  	s22 =	simm.s32 @!p1 $0x2;
	s21 =	smov.u32 @p2 s2;
	p2 =	sne.s32 s13, s7  }
.Ltmp1:
0x17: {  	s17 =	smov.u32 s10;
	_ =	swait.ge @!p1 [sflag:s22], $0x4000;
	(pc) =	sbr.rel @!p2 .LBB1_8-.Ltmp1, $4  }
0x18: {  	s16 =	smov.u32 s12;
	p0 =	por !p0, !p0;
	[sflag:s22] =	ssyncset.done @!p1 $0x0  }
0x19: {  	s9 =	smov.u32 s18;
	s19 =	simm.s32 @p3 $0x0;
	[sflag:s22] =	ssyncadd.s32 @!p1 $0xFFFFC000  }
0x1a: {  	s10 =	smov.u32 s19;
	s20 =	simm.s32 @p4 $0x0;
	s14 =	smov.u32 s11  }
0x1b: {  	s11 =	smov.u32 s20;
	s13 =	sadd.s32 $0x1, s13;
	s12 =	smov.u32 s21  }
.LBB1_1:
0x1c: {  	p1 =	sge.u32 s13, s6  }
0x1d: {  	s18 =	sshrl.u32 @!p1 s10, $0x3  }
0x1e: {  	s19 =	sshll.u32 @!p1 s9, $0x3;
	s18 =	smul.u32 @!p1 $0xC00, s18  }
0x1f: {  	s20 =	sshll.u32 @!p1 s10, $0x7;
	s19 =	sand.u32 @!p1 $0xFFFFFC00, s19  }
0x20: {  	s18 =	sadd.s32 @!p1 s18, s19;
	s19 =	sand.u32 @!p1 $0x380, s20  }
0x21: {  	s20 =	sand.u32 @!p1 $0x7F, s9;
	s18 =	sor.u32 @!p1 s19, s18  }
0x22: {  	s19 =	sor.u32 @!p1 s20, s18  }
0x23: {  	s20 =	smulhi.u32 @!p1 $0xAAAAAAAB, s19  }
0x24: {  	s18 =	smulhi.u32 @!p1 $0xAAAAAAAB, s18  }
0x25: {  	s31 =	sadd.s32 $0xFFFFFFFF, s13;
	s22 =	smul.u32 @!p1 $0x1200, s12;
	s20 =	sshrl.u32 @!p1 s20, $0x8  }
0x26: {  	s21 =	sxor.u32 @!p1 $0xFFFFFFFF, s13;
	s18 =	sshrl.u32 @!p1 s18, $0x8;
	s20 =	smul.u32 @!p1 $0x180, s20  }
0x27: {  	s23 =	smul.u32 @!p1 $0x180, s11;
	s21 =	sshll.u32 @!p1 s21, $0xE;
	s18 =	sand.u32 @!p1 $0x7, s18  }
0x28: {  	s18 =	smul.u32 @!p1 $0x30, s18;
	s19 =	ssub.s32 @!p1 s19, s20;
	s20 =	sadd.s32 @!p1 s4, s22  }
0x29: {  	s21 =	sand.u32 @!p1 $0x4000, s21;
	s20 =	sadd.s32 @!p1 s23, s20;
	s22 =	sand.u32 @!p1 $0x7, s19  }
0x2a: {  	s19 =	sshrl.u32 @!p1 s19, $0x3;
	s18 =	sadd.s32 @!p1 s18, s20;
	s20 =	sshll.u32 @!p1 s22, $0x12  }
0x2b: {  	s18 =	sadd.s32 @!p1 s19, s18;
	s19 =	sor.u32 @!p1 $0x400, s20;
	s20 =	simm.s32 @!p1 $0x9000  }
0x2c: {  	[tilespmem:s21], [sflag:$0x1] =	stream.strided.gather @!p1 [hbm4b:s18+s19], $0x4000, s20, s19, $0x38;
	[tilespmem:$0x10000] =	vst v63  }
0x2d: {  	p1 =	sge.u32 s31, s6  }
.Ltmp2:
0x2e: {  	_ = 	snop;
	(pc) =	sbr.rel @p1 .LBB1_7-.Ltmp2, $1  }
0x2f: {  	_ =	sdelay $0x3  }
0x30: {  	s18 =	simm.s32 $0x1;
	_ =	swait.ge [sflag:s5], $0x4000;
	s21 =	sshll.u32 s13, $0xE  }
0x31: {  	s18 =	simm.s32 @!p0 $0x0;
	[sflag:s5] =	ssyncset.done $0x0;
	s31 =	sand.u32 $0x4000, s21  }
0x32: {  	s21 =	simm.s32 $0x0;
	s18 =	sshll.u32 s18, $0xE;
	[sflag:s5] =	ssyncadd.s32 $0xFFFFC000  }
0x33: {  	s19 =	sor.u32 $0x8040, s18;
	s20 =	sor.u32 $0x40, s18;
	s18 =	sor.u32 $0x8000, s31  }
.LBB1_3:
0x34: {  	v1 =	vmov s20;
	_ =	sdelay $0x3  }
0x35: {  	s22 =	simm.s32 $0x0  }
0x36: {  	v7 =	vld.idx.msk [tilespmem:v1+s22+$0x30 ss:$0x1], $0xffff  }
0x37: {  	v0 =	vmov s19;
	v8 =	vld.idx.msk [tilespmem:v1+s22+$0xFFFFFFC0 ss:$0x1], $0xffff  }
0x38: {  	v6 =	vld.idx.msk [tilespmem:v1+s22+$0xFFFFFFD0 ss:$0x1], $0xffff  }
0x39: {  	v5 =	vld.idx.msk [tilespmem:v1+s22+$0xFFFFFFE0 ss:$0x1], $0xffff  }
0x3a: {  	v4 =	vld.idx.msk [tilespmem:v1+s22+$0xFFFFFFF0 ss:$0x1], $0xffff  }
0x3b: {  	v2 =	vld.idx.msk [tilespmem:v1+s22+$0x0 ss:$0x1], $0xffff  }
0x3c: {  	v3 =	vld.idx.msk [tilespmem:v1+s22+$0x10 ss:$0x1], $0xffff;
	[tilespmem:v0+s22+$0x30 ss:$0x1] =	vst.idx.msk $0xffff, v7  }
0x3d: {  	s23 =	simm.s32 $0x80;
	s24 =	simm.s32 $0x400;
	[tilespmem:v0+s22+$0xFFFFFFC0 ss:$0x1] =	vst.idx.msk $0xffff, v8;
	v7 =	vld.idx.msk [tilespmem:v1+s22+$0x20 ss:$0x1], $0xffff  }
.LBB1_4:
0x3e: {  	p1 =	sne.s32 s24, $0xE00;
	v8 =	vld.idx.msk [tilespmem:v1+s23+$0x30 ss:$0x1], $0xffff;
	[tilespmem:v0+s22+$0xFFFFFFD0 ss:$0x1] =	vst.idx.msk $0xffff, v6  }
0x3f: {  	v9 =	vld.idx.msk [tilespmem:v1+s23+$0xFFFFFFC0 ss:$0x1], $0xffff;
	[tilespmem:v0+s22+$0xFFFFFFE0 ss:$0x1] =	vst.idx.msk $0xffff, v5  }
0x40: {  	v6 =	vld.idx.msk [tilespmem:v1+s23+$0xFFFFFFD0 ss:$0x1], $0xffff;
	[tilespmem:v0+s22+$0xFFFFFFF0 ss:$0x1] =	vst.idx.msk $0xffff, v4  }
.Ltmp3:
0x41: {  	v5 =	vld.idx.msk [tilespmem:v1+s23+$0xFFFFFFE0 ss:$0x1], $0xffff;
	[tilespmem:v0+s22+$0x0 ss:$0x1] =	vst.idx.msk $0xffff, v2;
	(pc) =	sbr.rel @p1 .LBB1_4-.Ltmp3, $4  }
0x42: {  	v4 =	vld.idx.msk [tilespmem:v1+s23+$0xFFFFFFF0 ss:$0x1], $0xffff;
	[tilespmem:v0+s22+$0x10 ss:$0x1] =	vst.idx.msk $0xffff, v3  }
0x43: {  	v2 =	vld.idx.msk [tilespmem:v1+s23+$0x0 ss:$0x1], $0xffff;
	[tilespmem:v0+s22+$0x20 ss:$0x1] =	vst.idx.msk $0xffff, v7;
	s22 =	smov.u32 s23  }
0x44: {  	v3 =	vld.idx.msk [tilespmem:v1+s22+$0x10 ss:$0x1], $0xffff;
	[tilespmem:v0+s22+$0x30 ss:$0x1] =	vst.idx.msk $0xffff, v8  }
0x45: {  	s23 =	sshra.s32 s24, $0x2;
	s24 =	sadd.s32 $0x200, s24;
	[tilespmem:v0+s22+$0xFFFFFFC0 ss:$0x1] =	vst.idx.msk $0xffff, v9;
	v7 =	vld.idx.msk [tilespmem:v1+s22+$0x20 ss:$0x1], $0xffff  }
0x46: {  	_ =	sdelay $0x3  }
0x47: {  	[tilespmem:v0+s22+$0xFFFFFFD0 ss:$0x1] =	vst.idx.msk $0xffff, v6  }
0x48: {  	v56 =	vld.idx.msk [tilespmem:v1+s23+$0x30 ss:$0x1], $0xffff;
	[tilespmem:v0+s22+$0xFFFFFFE0 ss:$0x1] =	vst.idx.msk $0xffff, v5  }
0x49: {  	v57 =	vld.idx.msk [tilespmem:v1+s23+$0xFFFFFFC0 ss:$0x1], $0xffff;
	[tilespmem:v0+s22+$0xFFFFFFF0 ss:$0x1] =	vst.idx.msk $0xffff, v4  }
0x4a: {  	v58 =	vld.idx.msk [tilespmem:v1+s23+$0xFFFFFFD0 ss:$0x1], $0xffff;
	[tilespmem:v0+s22+$0x0 ss:$0x1] =	vst.idx.msk $0xffff, v2  }
0x4b: {  	v59 =	vld.idx.msk [tilespmem:v1+s23+$0xFFFFFFE0 ss:$0x1], $0xffff;
	[tilespmem:v0+s22+$0x10 ss:$0x1] =	vst.idx.msk $0xffff, v3  }
0x4c: {  	v60 =	vld.idx.msk [tilespmem:v1+s23+$0xFFFFFFF0 ss:$0x1], $0xffff;
	[tilespmem:v0+s22+$0x20 ss:$0x1] =	vst.idx.msk $0xffff, v7  }
0x4d: {  	v61 =	vld.idx.msk [tilespmem:v1+s23+$0x0 ss:$0x1], $0xffff;
	[tilespmem:v0+s23+$0x30 ss:$0x1] =	vst.idx.msk $0xffff, v56  }
0x4e: {  	v62 =	vld.idx.msk [tilespmem:v1+s23+$0x10 ss:$0x1], $0xffff;
	s21 =	sadd.s32 $0x1, s21;
	[tilespmem:v0+s23+$0xFFFFFFC0 ss:$0x1] =	vst.idx.msk $0xffff, v57  }
0x4f: {  	v63 =	vld.idx.msk [tilespmem:v1+s23+$0x20 ss:$0x1], $0xffff;
	p1 =	sne.s32 s21, $0x10;
	[tilespmem:v0+s23+$0xFFFFFFD0 ss:$0x1] =	vst.idx.msk $0xffff, v58  }
.Ltmp4:
0x50: {  	[tilespmem:v0+s23+$0xFFFFFFE0 ss:$0x1] =	vst.idx.msk $0xffff, v59;
	(pc) =	sbr.rel @p1 .LBB1_3-.Ltmp4, $4  }
0x51: {  	[tilespmem:v0+s23+$0xFFFFFFF0 ss:$0x1] =	vst.idx.msk $0xffff, v60  }
0x52: {  	[tilespmem:v0+s23+$0x0 ss:$0x1] =	vst.idx.msk $0xffff, v61  }
0x53: {  	[tilespmem:v0+s23+$0x10 ss:$0x1] =	vst.idx.msk $0xffff, v62  }
0x54: {  	s19 =	sadd.s32 $0x400, s19;
	s20 =	sadd.s32 $0x400, s20;
	[tilespmem:v0+s23+$0x20 ss:$0x1] =	vst.idx.msk $0xffff, v63  }
0x55: {  	s19 =	sshrl.u32 s17, $0x3  }
0x56: {  	s20 =	sshll.u32 s15, $0x3;
	s19 =	smul.u32 $0xC00, s19  }
0x57: {  	s27 =	sshll.u32 s17, $0x7;
	s20 =	sand.u32 $0xFFFFFC00, s20  }
0x58: {  	s17 =	sand.u32 $0x380, s27;
	s19 =	sadd.s32 s19, s20  }
0x59: {  	s28 =	sand.u32 $0x7F, s15;
	s17 =	sor.u32 s17, s19  }
0x5a: {  	s15 =	sor.u32 s28, s17;
	s17 =	smulhi.u32 $0xAAAAAAAB, s17  }
0x5b: {  	s29 =	smulhi.u32 $0xAAAAAAAB, s15  }
0x5c: {  	s16 =	smul.u32 $0x180, s16  }
0x5d: {  	s14 =	smul.u32 $0x24000, s14;
	s17 =	sshrl.u32 s17, $0x8;
	s19 =	sshrl.u32 s29, $0x8  }
0x5e: {  	s17 =	sand.u32 $0x7, s17;
	s19 =	smul.u32 $0x180, s19  }
0x5f: {  	s17 =	smul.u32 $0x30, s17  }
.Ltmp5:
0x60: {  	s16 =	sadd.s32 s3, s16;
	s15 =	ssub.s32 s15, s19;
	(pc) =	sbr.rel .LBB1_7-.Ltmp5, $4  }
0x61: {  	s14 =	sadd.s32 s14, s16;
	s30 =	sand.u32 $0x7, s15  }
0x62: {  	s14 =	sadd.s32 s17, s14;
	s15 =	sshrl.u32 s15, $0x3;
	s16 =	sshll.u32 s30, $0x12  }
0x63: {  	s14 =	sadd.s32 s15, s14;
	s31 =	sor.u32 $0x400, s16  }
0x64: {  	[hbm4b:s14+s31] =	stream.strided.scatter [tilespmem:s18], [sflag:$0x2], $0x4000, s8, s31, $0x38;
	[tilespmem:$0x10000] =	vst v63  }
.LBB1_8:
0x65: {  	_ =	sfence.sel $0x180000  }
0x66: {  	s2 =	simm.s32 $0x1;
	[bflag:$0x0] =	sbarrier.arrive $0xFFFF  }
0x67: {  	s31 =	simm.s32 $0x2;
	[sflag:s2] =	ssyncpa.u1 $0x1  }
0x68: {  	[sflag:s31] =	ssyncpa.u1 $0x1  }
0x69: {  	p0 =	sne.s32 s0, $0x0;
	_ =	strace $0x90000047  }
0x6a: {  	s0 =	sadd.s32 @!p0 $0x100000, s1;
	[bflag:$0x2] =	sbarrier.arrive $0xFFFF  }
0x6b: {  	[sflag:s0] =	ssyncadd.tile.s32 @!p0 $0x1;
	_ =	shalt  }
.Lfunc_end1:
_tile_overlayer_lowered:
.L_overlay_start_2:
0x6c: {  	(tag) =	ssettag $0x2  }
0x6d: {  	s0 =	rddreg [dreg:$0x0];
	s2 =	stileid.u32  }
0x6e: {  	s1 =	rddreg [dreg:$0x1];
	p0 =	sne.s32 s2, $0x0  }
0x6f: {  	s3 =	rddreg [dreg:$0x2];
	[bflag:$0x3] =	sbarrier.arrive $0xFFFF;
	s2 =	simm.s32 @!p0 $0x1C01  }
0x70: {  	[timem:s3], [sflag:s2] =	dma.local @!p0 [hbm:s0], s1  }
0x71: {  	s0 =	simm.s32 @!p0 $0x1  }
0x72: {  	_ =	swait.ge @!p0 [sflag:s0], s1  }
0x73: {  	s1 =	ssub.s32 @!p0 $0x0, s1;
	[sflag:s0] =	ssyncset.done @!p0 $0x0  }
0x74: {  	[sflag:s0] =	ssyncadd.s32 @!p0 s1  }
0x75: {  	[bflag:$0x3] =	sbarrier.arrive $0xFFFF  }
0x76: {  	_ =	shalt  }

// kernel: sparse-core-data-format-call.cloned.1.call-start
scs
called_computation_lowered:
.L_overlay_start_0:
0x0: {  	s2 =	sld [smem:$0x3FD9]  }
0x1: {  	s3 =	sld [smem:$0x3FFE];
	_ =	sdelay $0x1  }
0x2: {  	s1 =	srdreg.scid  }
0x3: {  	s0 =	sand.u32 $0x1, s1  }
0x4: {  	s18 =	sshll.u32 s0, $0xA;
	s2 =	sadd.s32 s3, s2  }
0x5: {  	s2 =	sadd.s32 s2, s18  }
0x6: {  	[smem:$0x3FB5] =	sst s2  }
0x7: {  	_ = 	snop  }
0x8: {  	s2 =	sld [smem:$0x3FD0];
	(tm) =	ssettm $0x1  }
0x9: {  	s19 =	sld [smem:$0x3FFB];
	_ =	sdelay $0x3  }
0xa: {  	_ =	strace s19  }
0xb: {  	s3 =	sld [smem:$0x3FFC];
	_ =	sdelay $0x3  }
0xc: {  	_ =	strace s3  }
0xd: {  	s3 =	sld [smem:$0x3FFD];
	_ =	sdelay $0x3  }
0xe: {  	_ =	strace s3  }
0xf: {  	_ =	strace $0x8FFFFFFF  }
0x10: {  	s20 =	sld [smem:$0x3FDB];
	_ =	sdelay $0x1  }
0x11: {  	s4 =	simm.s32 $_scs_section_size  }
0x12: {  	s5 =	simm.s32 $_size__tile_overlayer_lowered;
	s6 =	simm.s32 $_tile_overlayer_lowered  }
0x13: {  	s23 =	simm.s32 $0x1BFF;
	s22 =	sshll.u32 s6, $0x1;
	s3 =	sadd.s32 s4, s20  }
0x14: {  	s7 =	simm.s32 $0x0;
	s21 =	sshll.u32 s5, $0x1;
	s5 =	sadd.s32 s22, s3  }
0x15: {  	[timem:s7], [sflag:s23] =	dma.local [hbm:s5], s21  }
0x16: {  	_ =	swait.ge [sflag:s23], s21  }
0x17: {  	s4 =	ssub.s32 $0x0, s21;
	[sflag:s23] =	ssyncset.done $0x0  }
0x18: {  	[sflag:s23] =	ssyncadd.s32 s4;
	_ =	sdelay $0x1  }
0x19: {  	s24 =	simm.s32 $0x1B8B  }
0x1a: {  	_ =	swait.ge [sflag:s24], $0x1  }
0x1b: {  	[sflag:s24] =	ssyncset.done $0x0  }
0x1c: {  	s26 =	simm.s32 $0x1B8E;
	s25 =	sld [smem:$0x3FFE];
	[sflag:s24] =	ssyncadd.s32 $0xFFFFFFFF  }
0x1d: {  	s27 =	simm.s32 $execute0_lowered;
	[smem:$0x3FD2] =	sst s26  }
0x1e: {  	s5 =	sshll.u32 s27, $0x1;
	_ =	strace $0x80000049;
	[dreg:$0x1] =	wrdreg $0xFFFFFFFF  }
0x1f: {  	s28 =	simm.s32 $_size_execute0_lowered;
	s3 =	sadd.s32 s3, s5;
	[dreg:$0x0] =	wrdreg $0x0  }
0x20: {  	s5 =	sshll.u32 s28, $0x1;
	[dreg:$0x2] =	wrdreg s3  }
0x21: {  	[dreg:$0x3] =	wrdreg s5  }
0x22: {  	[dreg:$0x4] =	wrdreg $0xC0  }
0x23: {  	_ =	task [dreg:s7], $0x5FFFF  }
0x24: {  	[dreg:$0x1] =	wrdreg $0xFFFFFFFF  }
0x25: {  	[dreg:$0x0] =	wrdreg $0x60  }
0x26: {  	[dreg:$0x2] =	wrdreg s25  }
0x27: {  	[dreg:$0x3] =	wrdreg s2  }
0x28: {  	[dreg:$0x4] =	wrdreg $0x9  }
0x29: {  	_ =	task.clear_ibuf [dreg:s7], $0x5FFFF;
	_ =	strace $0x90000049  }
0x2a: {  	s29 =	simm.s32 $0x9;
	_ =	strace $0x8000004B  }
0x2b: {  	_ =	swait.ge [sflag:s29], $0x1  }
0x2c: {  	[sflag:s29] =	ssyncadd.s32 $0xFFFFFFFF  }
0x2d: {  	_ =	strace $0x9000004B  }
0x2e: {  	_ =	sfence  }
0x2f: {  	s30 =	sld [smem:$0x0];
	_ =	sdelay $0x2  }
0x30: {  	s31 =	sshll.u32 s1, $0xD;
	s1 =	sshrl.u32 s1, $0x2  }
0x31: {  	s3 =	sand.u32 $0x4000, s31;
	s1 =	sadd.s32 s1, s30  }
0x32: {  	s0 =	sor.u32 s3, s0;
	s1 =	sshll.u32 s1, $0x11  }
0x33: {  	s0 =	sor.u32 s1, s0  }
0x34: {  	s0 =	sadd.s32 $0x8F2B, s0  }
0x35: {  	[sflag:s0] =	ssyncadd.remote.s32 $0x1  }
0x36: {  	_ =	sfence.sel $0xFFFF  }
0x37: {  	[dreg:$0x0] =	wrdreg $0xFFFFFFFF;
	(pc) =	sbr.abs _section_cstart, $3  }
0x38: {  	[dreg:$0x1] =	wrdreg $0xFFFFFFFF  }
0x39: {  	_ =	task.clear_ibuf [dreg:s7], $0x2FFFF;
	_ =	strace $0x9FFFFFFF  }
0x3a: {  	(tm) =	ssettm $0x7FFFFFFF  }
0x3b: {  	_ =	shalt  }
tec
execute0_lowered:
.L_overlay_start_1:
0x0: {  	(tag) =	ssettag $0x1  }
0x1: {  	s1 =	rddreg [dreg:$0x0]  }
0x2: {  	s2 =	rddreg [dreg:$0x1]  }
0x3: {  	s0 =	rddreg [dreg:$0x2];
	s4 =	srdreg.scid  }
0x4: {  	_ =	strace $0x8000004A;
	s7 =	simm.s32 $0x2;
	s15 =	simm.s32 $0x0  }
0x5: {  	p0 =	por $0x0, $0x0;
	s13 =	simm.s32 $0x0;
	s16 =	simm.s32 $0x0  }
0x6: {  	s14 =	simm.s32 $0x0;
	s9 =	simm.s32 $0x0;
	s11 =	simm.s32 $0x0  }
.Ltmp0:
0x7: {  	s3 =	sadd.s32 $0x27400, s1;
	s4 =	sshll.u32 s4, $0x4;
	(pc) =	sbr.rel .LBB1_1-.Ltmp0, $4  }
0x8: {  	s1 =	stileid.u32;
	s5 =	sand.u32 $0x10, s4;
	s4 =	simm.s32 $0x1  }
0x9: {  	s8 =	simm.s32 $0x0;
	s6 =	sor.u32 s1, s5;
	[sflag:s4] =	ssyncpa.u1 $0x0  }
0xa: {  	s5 =	sand.u32 $0x3, s1;
	s6 =	sshrl.u32 s6, $0x2;
	[sflag:s7] =	ssyncpa.u1 $0x0  }
0xb: {  	s7 =	simm.s32 $0xC00;
	s12 =	smov.u32 s5;
	s10 =	smov.u32 s6  }
.LBB1_5:
0xc: {  	s17 =	sadd.s32 $0x80, s9  }
0xd: {  	s13 =	sadd.s32 $0x8, s10;
	s18 =	smov.u32 s10;
	p2 =	sgt.s32 s17, $0x17F  }
0xe: {  	s18 =	smov.u32 @p2 s13  }
0xf: {  	s19 =	smov.u32 s11;
	s13 =	sadd.s32 $0x80, s11;
	p3 =	sgt.s32 s18, $0x7  }
0x10: {  	s19 =	smov.u32 @p3 s13  }
0x11: {  	s20 =	smov.u32 s12;
	s13 =	sadd.s32 $0x4, s12;
	p4 =	sgt.s32 s19, $0x17F  }
0x12: {  	p1 =	slt.u32 s8, $0x2;
	s20 =	smov.u32 @p4 s13  }
0x13: {  	s8 =	sadd.s32 $0x1, s8;
	s17 =	simm.s32 @p2 $0x0;
	p2 =	sgt.s32 s20, $0xB  }
0x14: {  	s15 =	smov.u32 s9;
	s20 =	smov.u32 @p2 s5;
	p2 =	sne.s32 s8, $0x1D  }
.Ltmp1:
0x15: {  	s16 =	smov.u32 s11;
	s21 =	simm.s32 @!p1 $0x2;
	(pc) =	sbr.rel @!p2 .LBB1_6-.Ltmp1, $4  }
0x16: {  	s14 =	smov.u32 s12;
	p0 =	por !p0, !p0;
	_ =	swait.ge @!p1 [sflag:s21], $0x4000  }
0x17: {  	[sflag:s21] =	ssyncset.done @!p1 $0x0;
	s9 =	smov.u32 s17;
	s18 =	smov.u32 @p3 s6  }
0x18: {  	[sflag:s21] =	ssyncadd.s32 @!p1 $0xFFFFC000;
	s19 =	simm.s32 @p4 $0x0;
	s13 =	smov.u32 s10  }
0x19: {  	s10 =	smov.u32 s18;
	s11 =	smov.u32 s19;
	s12 =	smov.u32 s20  }
.LBB1_1:
0x1a: {  	p1 =	sgt.u32 s8, $0x1A  }
0x1b: {  	s17 =	sshrl.u32 @!p1 s10, $0x3  }
0x1c: {  	s18 =	sshll.u32 @!p1 s9, $0x3;
	s17 =	smul.u32 @!p1 $0xC00, s17  }
0x1d: {  	s19 =	sshll.u32 @!p1 s10, $0x7;
	s18 =	sand.u32 @!p1 $0xFFFFFC00, s18  }
0x1e: {  	s17 =	sadd.s32 @!p1 s17, s18;
	s18 =	sand.u32 @!p1 $0x380, s19  }
0x1f: {  	s19 =	sand.u32 @!p1 $0x7F, s9;
	s17 =	sor.u32 @!p1 s18, s17  }
0x20: {  	s18 =	sor.u32 @!p1 s19, s17  }
0x21: {  	s19 =	smulhi.u32 @!p1 $0xAAAAAAAB, s18  }
0x22: {  	s17 =	smulhi.u32 @!p1 $0xAAAAAAAB, s17  }
0x23: {  	s21 =	smul.u32 @!p1 $0x24000, s12;
	s19 =	sshrl.u32 @!p1 s19, $0x8  }
0x24: {  	s20 =	sxor.u32 @!p1 $0xFFFFFFFF, s8;
	s17 =	sshrl.u32 @!p1 s17, $0x8;
	s19 =	smul.u32 @!p1 $0x180, s19  }
0x25: {  	s22 =	smul.u32 @!p1 $0x180, s11;
	s20 =	sshll.u32 @!p1 s20, $0xE;
	s17 =	sand.u32 @!p1 $0x7, s17  }
0x26: {  	s17 =	smul.u32 @!p1 $0x30, s17;
	s18 =	ssub.s32 @!p1 s18, s19;
	s19 =	sadd.s32 @!p1 s3, s21  }
0x27: {  	s20 =	sand.u32 @!p1 $0x4000, s20;
	s19 =	sadd.s32 @!p1 s22, s19;
	s21 =	sand.u32 @!p1 $0x7, s18  }
0x28: {  	s18 =	sshrl.u32 @!p1 s18, $0x3;
	s17 =	sadd.s32 @!p1 s17, s19;
	s19 =	sshll.u32 @!p1 s21, $0x12  }
0x29: {  	s17 =	sadd.s32 @!p1 s18, s17;
	s18 =	sor.u32 @!p1 $0x80, s19;
	s19 =	simm.s32 @!p1 $0xC00  }
0x2a: {  	[tilespmem:s20], [sflag:$0x1] =	stream.strided.gather @!p1 [hbm4b:s17+s18], $0x4000, s19, s18, $0x38;
	[tilespmem:$0x10000] =	vst v63  }
0x2b: {  	p1 =	seq.s32 s8, $0x0  }
0x2c: {  	p2 =	seq.s32 @!p1 s8, $0x1C  }
0x2d: {  	p1 =	por p1, p2  }
.Ltmp2:
0x2e: {  	_ = 	snop;
	(pc) =	sbr.rel @p1 .LBB1_5-.Ltmp2, $1  }
0x2f: {  	_ =	sdelay $0x3  }
0x30: {  	s17 =	simm.s32 $0x1  }
0x31: {  	s17 =	simm.s32 @!p0 $0x0  }
0x32: {  	s17 =	sshll.u32 s17, $0xE  }
0x33: {  	s18 =	sor.u32 $0x70, s17  }
0x34: {  	v1 =	vmov s18;
	_ =	sdelay $0x1  }
0x35: {  	_ =	swait.ge [sflag:s4], $0x4000  }
0x36: {  	[sflag:s4] =	ssyncset.done $0x0  }
0x37: {  	s19 =	simm.s32 $0x0;
	[sflag:s4] =	ssyncadd.s32 $0xFFFFC000  }
0x38: {  	s17 =	sor.u32 $0x8040, s17;
	v6 =	vld.idx.msk [tilespmem:v1+s19+$0x0 ss:$0x1], $0xffff  }
0x39: {  	v0 =	vmov s17;
	v8 =	vld.idx.msk [tilespmem:v1+s19+$0xFFFFFF90 ss:$0x1], $0xffff  }
0x3a: {  	v7 =	vld.idx.msk [tilespmem:v1+s19+$0xFFFFFFA0 ss:$0x1], $0xffff  }
0x3b: {  	v5 =	vld.idx.msk [tilespmem:v1+s19+$0xFFFFFFB0 ss:$0x1], $0xffff  }
0x3c: {  	v4 =	vld.idx.msk [tilespmem:v1+s19+$0xFFFFFFC0 ss:$0x1], $0xffff  }
0x3d: {  	s31 =	sshll.u32 s8, $0xE;
	v2 =	vld.idx.msk [tilespmem:v1+s19+$0xFFFFFFD0 ss:$0x1], $0xffff  }
0x3e: {  	s17 =	sand.u32 $0x4000, s31;
	v3 =	vld.idx.msk [tilespmem:v1+s19+$0xFFFFFFE0 ss:$0x1], $0xffff;
	[tilespmem:v0+s19+$0x30 ss:$0x1] =	vst.idx.msk $0xffff, v6  }
0x3f: {  	s20 =	simm.s32 $0x400;
	s18 =	simm.s32 $0x80;
	s17 =	sor.u32 $0x8000, s17;
	[tilespmem:v0+s19+$0xFFFFFFC0 ss:$0x1] =	vst.idx.msk $0xffff, v8;
	v6 =	vld.idx.msk [tilespmem:v1+s19+$0xFFFFFFF0 ss:$0x1], $0xffff  }
.LBB1_3:
0x40: {  	p1 =	sne.s32 s20, $0xFE00;
	v8 =	vld.idx.msk [tilespmem:v1+s18+$0x0 ss:$0x1], $0xffff;
	[tilespmem:v0+s19+$0xFFFFFFD0 ss:$0x1] =	vst.idx.msk $0xffff, v7  }
0x41: {  	v9 =	vld.idx.msk [tilespmem:v1+s18+$0xFFFFFF90 ss:$0x1], $0xffff;
	[tilespmem:v0+s19+$0xFFFFFFE0 ss:$0x1] =	vst.idx.msk $0xffff, v5  }
0x42: {  	v7 =	vld.idx.msk [tilespmem:v1+s18+$0xFFFFFFA0 ss:$0x1], $0xffff;
	[tilespmem:v0+s19+$0xFFFFFFF0 ss:$0x1] =	vst.idx.msk $0xffff, v4  }
.Ltmp3:
0x43: {  	v5 =	vld.idx.msk [tilespmem:v1+s18+$0xFFFFFFB0 ss:$0x1], $0xffff;
	[tilespmem:v0+s19+$0x0 ss:$0x1] =	vst.idx.msk $0xffff, v2;
	(pc) =	sbr.rel @p1 .LBB1_3-.Ltmp3, $4  }
0x44: {  	v4 =	vld.idx.msk [tilespmem:v1+s18+$0xFFFFFFC0 ss:$0x1], $0xffff;
	[tilespmem:v0+s19+$0x10 ss:$0x1] =	vst.idx.msk $0xffff, v3  }
0x45: {  	v2 =	vld.idx.msk [tilespmem:v1+s18+$0xFFFFFFD0 ss:$0x1], $0xffff;
	[tilespmem:v0+s19+$0x20 ss:$0x1] =	vst.idx.msk $0xffff, v6;
	s19 =	smov.u32 s18  }
0x46: {  	v3 =	vld.idx.msk [tilespmem:v1+s19+$0xFFFFFFE0 ss:$0x1], $0xffff;
	[tilespmem:v0+s19+$0x30 ss:$0x1] =	vst.idx.msk $0xffff, v8  }
0x47: {  	s18 =	sshra.s32 s20, $0x2;
	s20 =	sadd.s32 $0x200, s20;
	[tilespmem:v0+s19+$0xFFFFFFC0 ss:$0x1] =	vst.idx.msk $0xffff, v9;
	v6 =	vld.idx.msk [tilespmem:v1+s19+$0xFFFFFFF0 ss:$0x1], $0xffff  }
0x48: {  	s20 =	sshrl.u32 s16, $0x3  }
0x49: {  	s21 =	sshll.u32 s15, $0x3;
	s20 =	smul.u32 $0xC00, s20  }
0x4a: {  	s26 =	sshll.u32 s16, $0x7;
	s21 =	sand.u32 $0xFFFFFC00, s21  }
0x4b: {  	s16 =	sand.u32 $0x380, s26;
	s20 =	sadd.s32 s20, s21  }
0x4c: {  	[tilespmem:v0+s19+$0xFFFFFFD0 ss:$0x1] =	vst.idx.msk $0xffff, v7;
	s27 =	sand.u32 $0x7F, s15;
	s16 =	sor.u32 s16, s20  }
0x4d: {  	v56 =	vld.idx.msk [tilespmem:v1+s18+$0x0 ss:$0x1], $0xffff;
	[tilespmem:v0+s19+$0xFFFFFFE0 ss:$0x1] =	vst.idx.msk $0xffff, v5;
	s15 =	sor.u32 s27, s16;
	s16 =	smulhi.u32 $0xAAAAAAAB, s16  }
0x4e: {  	v57 =	vld.idx.msk [tilespmem:v1+s18+$0xFFFFFF90 ss:$0x1], $0xffff;
	[tilespmem:v0+s19+$0xFFFFFFF0 ss:$0x1] =	vst.idx.msk $0xffff, v4  }
0x4f: {  	v58 =	vld.idx.msk [tilespmem:v1+s18+$0xFFFFFFA0 ss:$0x1], $0xffff;
	s14 =	smul.u32 $0x24000, s14;
	[tilespmem:v0+s19+$0x0 ss:$0x1] =	vst.idx.msk $0xffff, v2;
	s16 =	sshrl.u32 s16, $0x8  }
0x50: {  	v59 =	vld.idx.msk [tilespmem:v1+s18+$0xFFFFFFB0 ss:$0x1], $0xffff;
	[tilespmem:v0+s19+$0x10 ss:$0x1] =	vst.idx.msk $0xffff, v3;
	s30 =	smulhi.u32 $0xAAAAAB, s16  }
0x51: {  	v60 =	vld.idx.msk [tilespmem:v1+s18+$0xFFFFFFC0 ss:$0x1], $0xffff;
	[tilespmem:v0+s19+$0x20 ss:$0x1] =	vst.idx.msk $0xffff, v6;
	s28 =	smulhi.u32 $0xAAAAAAAB, s15  }
0x52: {  	v61 =	vld.idx.msk [tilespmem:v1+s18+$0xFFFFFFD0 ss:$0x1], $0xffff;
	[tilespmem:v0+s18+$0x30 ss:$0x1] =	vst.idx.msk $0xffff, v56;
	s20 =	smul.u32 $0x180, s30  }
0x53: {  	v62 =	vld.idx.msk [tilespmem:v1+s18+$0xFFFFFFE0 ss:$0x1], $0xffff;
	s13 =	smul.u32 $0x4800, s13;
	[tilespmem:v0+s18+$0xFFFFFFC0 ss:$0x1] =	vst.idx.msk $0xffff, v57;
	s29 =	sshrl.u32 s28, $0x8  }
0x54: {  	v63 =	vld.idx.msk [tilespmem:v1+s18+$0xFFFFFFF0 ss:$0x1], $0xffff;
	[tilespmem:v0+s18+$0xFFFFFFD0 ss:$0x1] =	vst.idx.msk $0xffff, v58;
	s19 =	smul.u32 $0x180, s29;
	s16 =	ssub.s32 s16, s20  }
0x55: {  	[tilespmem:v0+s18+$0xFFFFFFE0 ss:$0x1] =	vst.idx.msk $0xffff, v59;
	s16 =	smul.u32 $0x30, s16  }
.Ltmp4:
0x56: {  	s14 =	sadd.s32 s2, s14;
	[tilespmem:v0+s18+$0xFFFFFFF0 ss:$0x1] =	vst.idx.msk $0xffff, v60;
	s15 =	ssub.s32 s15, s19;
	(pc) =	sbr.rel .LBB1_5-.Ltmp4, $4  }
0x57: {  	s13 =	sadd.s32 s13, s14;
	[tilespmem:v0+s18+$0x0 ss:$0x1] =	vst.idx.msk $0xffff, v61;
	s31 =	sand.u32 $0x7, s15  }
0x58: {  	[tilespmem:v0+s18+$0x10 ss:$0x1] =	vst.idx.msk $0xffff, v62;
	s15 =	sshrl.u32 s15, $0x3;
	s14 =	sshll.u32 s31, $0x12;
	s13 =	sadd.s32 s16, s13  }
0x59: {  	[tilespmem:v0+s18+$0x20 ss:$0x1] =	vst.idx.msk $0xffff, v63;
	s14 =	sor.u32 $0x400, s14;
	s13 =	sadd.s32 s15, s13  }
0x5a: {  	[hbm4b:s13+s14] =	stream.strided.scatter [tilespmem:s17], [sflag:$0x2], $0x4000, s7, s14, $0x38;
	[tilespmem:$0x10000] =	vst v63  }
.LBB1_6:
0x5b: {  	_ =	sfence.sel $0x180000  }
0x5c: {  	s2 =	simm.s32 $0x1;
	[bflag:$0x0] =	sbarrier.arrive $0xFFFF  }
0x5d: {  	s31 =	simm.s32 $0x2;
	[sflag:s2] =	ssyncpa.u1 $0x1  }
0x5e: {  	[sflag:s31] =	ssyncpa.u1 $0x1  }
0x5f: {  	p0 =	sne.s32 s1, $0x0;
	_ =	strace $0x9000004A  }
0x60: {  	s0 =	sadd.s32 @!p0 $0x100000, s0;
	[bflag:$0x2] =	sbarrier.arrive $0xFFFF  }
0x61: {  	[sflag:s0] =	ssyncadd.tile.s32 @!p0 $0x1;
	_ =	shalt  }
.Lfunc_end1:
_tile_overlayer_lowered:
.L_overlay_start_2:
0x62: {  	(tag) =	ssettag $0x2  }
0x63: {  	s0 =	rddreg [dreg:$0x0];
	s2 =	stileid.u32  }
0x64: {  	s1 =	rddreg [dreg:$0x1];
	p0 =	sne.s32 s2, $0x0  }
0x65: {  	s3 =	rddreg [dreg:$0x2];
	[bflag:$0x3] =	sbarrier.arrive $0xFFFF;
	s2 =	simm.s32 @!p0 $0x1C01  }
0x66: {  	[timem:s3], [sflag:s2] =	dma.local @!p0 [hbm:s0], s1  }
0x67: {  	s0 =	simm.s32 @!p0 $0x1  }
0x68: {  	_ =	swait.ge @!p0 [sflag:s0], s1  }
0x69: {  	s1 =	ssub.s32 @!p0 $0x0, s1;
	[sflag:s0] =	ssyncset.done @!p0 $0x0  }
0x6a: {  	[sflag:s0] =	ssyncadd.s32 @!p0 s1  }
0x6b: {  	[bflag:$0x3] =	sbarrier.arrive $0xFFFF  }
0x6c: {  	_ =	shalt  }

</sc_bundles>
